<compile_context>
chip_gen: v7x
topology: tpu7x:2x2x1
jax: 0.10.2.dev20260603
libtpu: 0.0.44.dev20260713+nightly
codegen_flags: <defaults>
</compile_context>

<pallas_src>
import functools

import jax
import jax.numpy as jnp
from jax import lax
from jax.experimental import pallas as pl
from jax.experimental.pallas import tpu as pltpu
from jax.experimental.pallas import tpu_sc as plsc

NUM_CLASSES = 119
N_ATOMS = 100000
L = 16
C = 128
NFULL = N_ATOMS // C
TAIL = N_ATOMS - NFULL * C
IMAP_PAD = 128


def kernel(atomic_numbers, index_map):
    info = plsc.get_sparse_core_info()
    nc, ns = info.num_cores, info.num_subcores
    nw = nc * ns

    imap_pad = jnp.pad(index_map, (0, IMAP_PAD - NUM_CLASSES))

    mesh = plsc.VectorSubcoreMesh(core_axis_name="c", subcore_axis_name="s")

    @functools.partial(
        pl.kernel,
        out_type=jax.ShapeDtypeStruct((NUM_CLASSES, N_ATOMS), jnp.float32),
        mesh=mesh,
        scratch_types=[
            pltpu.VMEM((IMAP_PAD,), jnp.int32),
            pltpu.VMEM((C,), jnp.int32),
            pltpu.VMEM((C,), jnp.int32),
            pltpu.VMEM((NUM_CLASSES, C), jnp.float32),
            pltpu.VMEM((NUM_CLASSES, TAIL), jnp.float32),
        ],
        compiler_params=pltpu.CompilerParams(needs_layout_passes=False),
    )
    def sc_kernel(a_hbm, imap_hbm, out_hbm, imap_v, a_v, m_v, buf, buf_t):
        wid = lax.axis_index("s") * nc + lax.axis_index("c")
        pltpu.sync_copy(imap_hbm, imap_v)

        zeros16 = jnp.zeros((L,), jnp.float32)
        ones16 = jnp.full((L,), 1.0, jnp.float32)
        iota16 = lax.iota(jnp.int32, L)

        def zero_body(r, carry):
            for j in range(C // L):
                buf[r, pl.ds(j * L, L)] = zeros16
            return carry

        lax.fori_loop(0, NUM_CLASSES, zero_body, 0)

        niter = (NFULL - wid + nw - 1) // nw

        def chunk_body(t, carry):
            g = wid + t * nw
            pltpu.sync_copy(a_hbm.at[pl.ds(g * C, C)], a_v)
            for j in range(C // L):
                av = a_v[pl.ds(j * L, L)]
                mapped = plsc.load_gather(imap_v, [av])
                plsc.store_scatter(buf, [mapped, iota16 + j * L], ones16)
                m_v[pl.ds(j * L, L)] = mapped
            pltpu.sync_copy(buf, out_hbm.at[:, pl.ds(g * C, C)])
            for j in range(C // L):
                mapped = m_v[pl.ds(j * L, L)]
                plsc.store_scatter(buf, [mapped, iota16 + j * L], zeros16)
            return carry

        lax.fori_loop(0, niter, chunk_body, 0)

        @pl.when(wid == NFULL % nw)
        def _():
            def tail_zero_body(r, carry):
                for j in range(TAIL // L):
                    buf_t[r, pl.ds(j * L, L)] = zeros16
                return carry

            lax.fori_loop(0, NUM_CLASSES, tail_zero_body, 0)
            pltpu.sync_copy(a_hbm.at[pl.ds(NFULL * C, TAIL)], a_v.at[pl.ds(0, TAIL)])
            for j in range(TAIL // L):
                av = a_v[pl.ds(j * L, L)]
                mapped = plsc.load_gather(imap_v, [av])
                plsc.store_scatter(buf_t, [mapped, iota16 + j * L], ones16)
            pltpu.sync_copy(buf_t, out_hbm.at[:, pl.ds(NFULL * C, TAIL)])

    return sc_kernel(atomic_numbers, imap_pad).T

# --- scband reference (transcript-rebuilt; emitter-appended) ---
"""Pipeline reference for scband-node-encoder-7052336300121 (READ-ONLY COPY).

The authoritative reference and input builder live on the scoring server;
editing this copy changes nothing except your own understanding.
"""

import jax, jax.numpy as jnp
import numpy as np

ZS = list(range(119))
NUM_CLASSES = len(ZS)
N_ATOMS = 100000


def setup_inputs(seed: int = 0) -> dict:
    key = jax.random.key(seed)
    atomic_numbers = jax.random.randint(key, (N_ATOMS,), 0, 119, dtype=jnp.int32)
    # buffer from __init__: maps atomic number z -> class index (or -1 if absent)
    index_map = jnp.array(
        [ZS.index(z) if z in ZS else -1 for z in range(max(ZS) + 1)],
        dtype=jnp.int32,
    )
    return {"atomic_numbers": atomic_numbers, "index_map": index_map}


def reference(atomic_numbers, index_map):
    # indices = self.index_map[atomic_numbers]  (gather)
    indices = jnp.take(index_map, atomic_numbers, axis=0)
    n = atomic_numbers.shape[0]
    # to_one_hot: zeros + scatter_(dim=-1, index=indices, value=1)
    oh = jnp.zeros((n, NUM_CLASSES), dtype=jnp.float32)
    oh = oh.at[jnp.arange(n), indices].set(1.0)
    return oh

if __name__ == "__main__":
    import jax
    _d = setup_inputs()
    print(jax.jit(kernel)(*tuple(_d.values())))

</pallas_src>

<mosaic_0001>
#map = affine_map<(d0, d1) -> (0)>
#map1 = affine_map<(d0, d1) -> (0, 0)>
module attributes {stable_mosaic.version = 14 : i64} {
  func.func @sc_kernel(%arg0: i32, %arg1: i32, %arg2: memref<100000xi32, #tpu.memory_space<hbm>>, %arg3: memref<128xi32, #tpu.memory_space<hbm>>, %arg4: memref<119x100000xf32, #tpu.memory_space<hbm>>, %arg5: memref<128xi32, #tpu.memory_space<vmem>>, %arg6: memref<128xi32, #tpu.memory_space<vmem>>, %arg7: memref<128xi32, #tpu.memory_space<vmem>>, %arg8: memref<119x128xf32, #tpu.memory_space<vmem>>, %arg9: memref<119x32xf32, #tpu.memory_space<vmem>>) attributes {dimension_semantics = [#tpu.dimension_semantics<core_parallel>, #tpu.dimension_semantics<subcore_parallel>], iteration_bounds = array<i64: 2, 16>, scalar_prefetch = 0 : i64, scratch_operands = 5 : i64, tpu.core_type = #tpu.core_type<sc_vector_subcore>, window_params = [{transform_indices = #map}, {transform_indices = #map}, {transform_indices = #map1}]} {
    %mul3A = arith.constant 2 : i32
    %mul3A_0 = arith.muli %arg1, %mul3A : i32
    %add3A = arith.addi %mul3A_0, %arg0 : i32
    "tpu.region"() ({
      %run_scoped3A = tpu.sem_alloc : memref<!tpu.dma_semaphore, #tpu.memory_space<semaphore_mem>>
      tpu.enqueue_dma source(%arg3 : memref<128xi32, #tpu.memory_space<hbm>>) target(%arg5 : memref<128xi32, #tpu.memory_space<vmem>>) target_semaphore(%run_scoped3A : memref<!tpu.dma_semaphore, #tpu.memory_space<semaphore_mem>>)
      tpu.wait_dma2 semaphore(%run_scoped3A : memref<!tpu.dma_semaphore, #tpu.memory_space<semaphore_mem>>) src(%arg3 : memref<128xi32, #tpu.memory_space<hbm>>) dst(%arg5 : memref<128xi32, #tpu.memory_space<vmem>>)
      tpu.yield
    }) : () -> ()
    %broadcast_in_dim3A = arith.constant 0.000000e+00 : f32
    %broadcast_in_dim3A_1 = vector.broadcast %broadcast_in_dim3A : f32 to vector<16xf32>
    %broadcast_in_dim3A_2 = arith.constant 1.000000e+00 : f32
    %broadcast_in_dim3A_3 = vector.broadcast %broadcast_in_dim3A_2 : f32 to vector<16xf32>
    %iota3A = tpu.iota {dimensions = array<i32: 0>} : vector<16xi32>
    %scan3A = arith.constant 0 : i32
    %scan3A_4 = arith.constant 0 : i32
    %scan3A_5 = arith.constant 119 : i32
    %scan3A_6 = arith.addi %scan3A_4, %scan3A_5 : i32
    %scan3A_7 = arith.constant 1 : i32
    scf.for %scan3A_42 = %scan3A_4 to %scan3A_6 step %scan3A_7  : i32 {
      %swap3A = arith.index_cast %scan3A_42 : i32 to index
      %swap3A_43 = arith.constant 0 : index
      %swap3A_44 = tpu.vector_load %arg8[%swap3A, %swap3A_43] {strides = array<i32>} : memref<119x128xf32, #tpu.memory_space<vmem>>, vector<16xf32>,
      tpu.vector_store %arg8[%swap3A, %swap3A_43], %broadcast_in_dim3A_1 {strides = array<i32>} : memref<119x128xf32, #tpu.memory_space<vmem>>, vector<16xf32>,
      %swap3A_45 = arith.index_cast %scan3A_42 : i32 to index
      %swap3A_46 = arith.constant 16 : index
      %swap3A_47 = tpu.vector_load %arg8[%swap3A_45, %swap3A_46] {strides = array<i32>} : memref<119x128xf32, #tpu.memory_space<vmem>>, vector<16xf32>,
      tpu.vector_store %arg8[%swap3A_45, %swap3A_46], %broadcast_in_dim3A_1 {strides = array<i32>} : memref<119x128xf32, #tpu.memory_space<vmem>>, vector<16xf32>,
      %swap3A_48 = arith.index_cast %scan3A_42 : i32 to index
      %swap3A_49 = arith.constant 32 : index
      %swap3A_50 = tpu.vector_load %arg8[%swap3A_48, %swap3A_49] {strides = array<i32>} : memref<119x128xf32, #tpu.memory_space<vmem>>, vector<16xf32>,
      tpu.vector_store %arg8[%swap3A_48, %swap3A_49], %broadcast_in_dim3A_1 {strides = array<i32>} : memref<119x128xf32, #tpu.memory_space<vmem>>, vector<16xf32>,
      %swap3A_51 = arith.index_cast %scan3A_42 : i32 to index
      %swap3A_52 = arith.constant 48 : index
      %swap3A_53 = tpu.vector_load %arg8[%swap3A_51, %swap3A_52] {strides = array<i32>} : memref<119x128xf32, #tpu.memory_space<vmem>>, vector<16xf32>,
      tpu.vector_store %arg8[%swap3A_51, %swap3A_52], %broadcast_in_dim3A_1 {strides = array<i32>} : memref<119x128xf32, #tpu.memory_space<vmem>>, vector<16xf32>,
      %swap3A_54 = arith.index_cast %scan3A_42 : i32 to index
      %swap3A_55 = arith.constant 64 : index
      %swap3A_56 = tpu.vector_load %arg8[%swap3A_54, %swap3A_55] {strides = array<i32>} : memref<119x128xf32, #tpu.memory_space<vmem>>, vector<16xf32>,
      tpu.vector_store %arg8[%swap3A_54, %swap3A_55], %broadcast_in_dim3A_1 {strides = array<i32>} : memref<119x128xf32, #tpu.memory_space<vmem>>, vector<16xf32>,
      %swap3A_57 = arith.index_cast %scan3A_42 : i32 to index
      %swap3A_58 = arith.constant 80 : index
      %swap3A_59 = tpu.vector_load %arg8[%swap3A_57, %swap3A_58] {strides = array<i32>} : memref<119x128xf32, #tpu.memory_space<vmem>>, vector<16xf32>,
      tpu.vector_store %arg8[%swap3A_57, %swap3A_58], %broadcast_in_dim3A_1 {strides = array<i32>} : memref<119x128xf32, #tpu.memory_space<vmem>>, vector<16xf32>,
      %swap3A_60 = arith.index_cast %scan3A_42 : i32 to index
      %swap3A_61 = arith.constant 96 : index
      %swap3A_62 = tpu.vector_load %arg8[%swap3A_60, %swap3A_61] {strides = array<i32>} : memref<119x128xf32, #tpu.memory_space<vmem>>, vector<16xf32>,
      tpu.vector_store %arg8[%swap3A_60, %swap3A_61], %broadcast_in_dim3A_1 {strides = array<i32>} : memref<119x128xf32, #tpu.memory_space<vmem>>, vector<16xf32>,
      %swap3A_63 = arith.index_cast %scan3A_42 : i32 to index
      %swap3A_64 = arith.constant 112 : index
      %swap3A_65 = tpu.vector_load %arg8[%swap3A_63, %swap3A_64] {strides = array<i32>} : memref<119x128xf32, #tpu.memory_space<vmem>>, vector<16xf32>,
      tpu.vector_store %arg8[%swap3A_63, %swap3A_64], %broadcast_in_dim3A_1 {strides = array<i32>} : memref<119x128xf32, #tpu.memory_space<vmem>>, vector<16xf32>,
    }
    %scan3A_8 = arith.constant 119 : i32
    %sub3A = arith.constant 781 : i32
    %sub3A_9 = arith.subi %sub3A, %add3A : i32
    %add3A_10 = arith.constant 32 : i32
    %add3A_11 = arith.addi %sub3A_9, %add3A_10 : i32
    %sub3A_12 = arith.constant 1 : i32
    %sub3A_13 = arith.subi %add3A_11, %sub3A_12 : i32
    %jit3A = arith.constant 32 : i32
    %div3A = arith.divsi %sub3A_13, %jit3A : i32
    %sign3A = arith.constant 0 : i32
    %sign3A_14 = arith.cmpi sgt, %sub3A_13, %sign3A : i32
    %sign3A_15 = arith.extui %sign3A_14 : i1 to i32
    %sign3A_16 = arith.constant 0 : i32
    %sign3A_17 = arith.cmpi slt, %sub3A_13, %sign3A_16 : i32
    %sign3A_18 = arith.extui %sign3A_17 : i1 to i32
    %sign3A_19 = arith.subi %sign3A_15, %sign3A_18 : i32
    %sign3A_20 = arith.constant 0 : i32
    %sign3A_21 = arith.cmpi sgt, %jit3A, %sign3A_20 : i32
    %sign3A_22 = arith.extui %sign3A_21 : i1 to i32
    %sign3A_23 = arith.constant 0 : i32
    %sign3A_24 = arith.cmpi slt, %jit3A, %sign3A_23 : i32
    %sign3A_25 = arith.extui %sign3A_24 : i1 to i32
    %sign3A_26 = arith.subi %sign3A_22, %sign3A_25 : i32
    %ne3A = arith.cmpi ne, %sign3A_19, %sign3A_26 : i32
    %rem3A = arith.remsi %sub3A_13, %jit3A : i32
    %ne3A_27 = arith.constant 0 : i32
    %ne3A_28 = arith.cmpi ne, %rem3A, %ne3A_27 : i32
    %and3A = arith.andi %ne3A, %ne3A_28 : i1
    %sub3A_29 = arith.constant 1 : i32
    %sub3A_30 = arith.subi %div3A, %sub3A_29 : i32
    %select_n3A = arith.select %and3A, %sub3A_30, %div3A : i32
    %while3A = arith.constant 0 : i32
    %while3A_31 = arith.constant 0 : i32
    %while3A_32 = arith.subi %select_n3A, %while3A_31 : i32
    %while3A_33 = arith.addi %while3A_31, %while3A_32 : i32
    %while3A_34 = arith.constant 1 : i32
    %while3A_35 = arith.divsi %while3A_32, %while3A_34 : i32
    %while3A_36 = arith.muli %while3A_35, %while3A_34 : i32
    %while3A_37 = arith.addi %while3A_31, %while3A_36 : i32
    %while3A_38 = arith.constant 1 : i32
    scf.for %while3A_42 = %while3A_31 to %while3A_37 step %while3A_38  : i32 {
      %mul3A_43 = arith.constant 32 : i32
      %mul3A_44 = arith.muli %while3A_42, %mul3A_43 : i32
      %add3A_45 = arith.addi %add3A, %mul3A_44 : i32
      %mul3A_46 = arith.constant 128 : i32
      %mul3A_47 = arith.muli %add3A_45, %mul3A_46 : i32
      "tpu.region"() ({
        %run_scoped3A = tpu.sem_alloc : memref<!tpu.dma_semaphore, #tpu.memory_space<semaphore_mem>>
        %dma_start3A = tpu.memref_slice %arg2[%mul3A_47] : memref<100000xi32, #tpu.memory_space<hbm>> -> memref<128xi32, #tpu.memory_space<hbm>>
        %dma_start3A_151 = tpu.memref_slice %arg2[%mul3A_47] : memref<100000xi32, #tpu.memory_space<hbm>> -> memref<128xi32, #tpu.memory_space<hbm>>
        tpu.enqueue_dma source(%dma_start3A_151 : memref<128xi32, #tpu.memory_space<hbm>>) target(%arg6 : memref<128xi32, #tpu.memory_space<vmem>>) target_semaphore(%run_scoped3A : memref<!tpu.dma_semaphore, #tpu.memory_space<semaphore_mem>>)
        %dma_wait3A = tpu.memref_slice %arg2[%mul3A_47] : memref<100000xi32, #tpu.memory_space<hbm>> -> memref<128xi32, #tpu.memory_space<hbm>>
        %dma_wait3A_152 = tpu.memref_slice %arg2[%mul3A_47] : memref<100000xi32, #tpu.memory_space<hbm>> -> memref<128xi32, #tpu.memory_space<hbm>>
        tpu.wait_dma2 semaphore(%run_scoped3A : memref<!tpu.dma_semaphore, #tpu.memory_space<semaphore_mem>>) src(%dma_wait3A_152 : memref<128xi32, #tpu.memory_space<hbm>>) dst(%arg6 : memref<128xi32, #tpu.memory_space<vmem>>)
        tpu.yield
      }) : () -> ()
      %get3A = arith.constant 0 : index
      %get3A_48 = tpu.vector_load %arg6[%get3A] {strides = array<i32>} : memref<128xi32, #tpu.memory_space<vmem>>, vector<16xi32>,
      %gather3A = tpu.vector_load_idx %arg5[%get3A_48] : memref<128xi32, #tpu.memory_space<vmem>>[vector<16xi32>], vector<16xi32>,
      %add3A_49 = arith.constant 0 : i32
      %add3A_50 = vector.broadcast %add3A_49 : i32 to vector<16xi32>
      %add3A_51 = arith.addi %iota3A, %add3A_50 : vector<16xi32>
      tpu.vector_store_idx %arg8[%gather3A, %add3A_51], %broadcast_in_dim3A_3 : memref<119x128xf32, #tpu.memory_space<vmem>>[vector<16xi32>, vector<16xi32>], vector<16xf32>,
      %swap3A = arith.constant 0 : index
      %swap3A_52 = tpu.vector_load %arg7[%swap3A] {strides = array<i32>} : memref<128xi32, #tpu.memory_space<vmem>>, vector<16xi32>,
      tpu.vector_store %arg7[%swap3A], %gather3A {strides = array<i32>} : memref<128xi32, #tpu.memory_space<vmem>>, vector<16xi32>,
      %get3A_53 = arith.constant 16 : index
      %get3A_54 = tpu.vector_load %arg6[%get3A_53] {strides = array<i32>} : memref<128xi32, #tpu.memory_space<vmem>>, vector<16xi32>,
      %gather3A_55 = tpu.vector_load_idx %arg5[%get3A_54] : memref<128xi32, #tpu.memory_space<vmem>>[vector<16xi32>], vector<16xi32>,
      %add3A_56 = arith.constant 16 : i32
      %add3A_57 = vector.broadcast %add3A_56 : i32 to vector<16xi32>
      %add3A_58 = arith.addi %iota3A, %add3A_57 : vector<16xi32>
      tpu.vector_store_idx %arg8[%gather3A_55, %add3A_58], %broadcast_in_dim3A_3 : memref<119x128xf32, #tpu.memory_space<vmem>>[vector<16xi32>, vector<16xi32>], vector<16xf32>,
      %swap3A_59 = arith.constant 16 : index
      %swap3A_60 = tpu.vector_load %arg7[%swap3A_59] {strides = array<i32>} : memref<128xi32, #tpu.memory_space<vmem>>, vector<16xi32>,
      tpu.vector_store %arg7[%swap3A_59], %gather3A_55 {strides = array<i32>} : memref<128xi32, #tpu.memory_space<vmem>>, vector<16xi32>,
      %get3A_61 = arith.constant 32 : index
      %get3A_62 = tpu.vector_load %arg6[%get3A_61] {strides = array<i32>} : memref<128xi32, #tpu.memory_space<vmem>>, vector<16xi32>,
      %gather3A_63 = tpu.vector_load_idx %arg5[%get3A_62] : memref<128xi32, #tpu.memory_space<vmem>>[vector<16xi32>], vector<16xi32>,
      %add3A_64 = arith.constant 32 : i32
      %add3A_65 = vector.broadcast %add3A_64 : i32 to vector<16xi32>
      %add3A_66 = arith.addi %iota3A, %add3A_65 : vector<16xi32>
      tpu.vector_store_idx %arg8[%gather3A_63, %add3A_66], %broadcast_in_dim3A_3 : memref<119x128xf32, #tpu.memory_space<vmem>>[vector<16xi32>, vector<16xi32>], vector<16xf32>,
      %swap3A_67 = arith.constant 32 : index
      %swap3A_68 = tpu.vector_load %arg7[%swap3A_67] {strides = array<i32>} : memref<128xi32, #tpu.memory_space<vmem>>, vector<16xi32>,
      tpu.vector_store %arg7[%swap3A_67], %gather3A_63 {strides = array<i32>} : memref<128xi32, #tpu.memory_space<vmem>>, vector<16xi32>,
      %get3A_69 = arith.constant 48 : index
      %get3A_70 = tpu.vector_load %arg6[%get3A_69] {strides = array<i32>} : memref<128xi32, #tpu.memory_space<vmem>>, vector<16xi32>,
      %gather3A_71 = tpu.vector_load_idx %arg5[%get3A_70] : memref<128xi32, #tpu.memory_space<vmem>>[vector<16xi32>], vector<16xi32>,
      %add3A_72 = arith.constant 48 : i32
      %add3A_73 = vector.broadcast %add3A_72 : i32 to vector<16xi32>
      %add3A_74 = arith.addi %iota3A, %add3A_73 : vector<16xi32>
      tpu.vector_store_idx %arg8[%gather3A_71, %add3A_74], %broadcast_in_dim3A_3 : memref<119x128xf32, #tpu.memory_space<vmem>>[vector<16xi32>, vector<16xi32>], vector<16xf32>,
      %swap3A_75 = arith.constant 48 : index
      %swap3A_76 = tpu.vector_load %arg7[%swap3A_75] {strides = array<i32>} : memref<128xi32, #tpu.memory_space<vmem>>, vector<16xi32>,
      tpu.vector_store %arg7[%swap3A_75], %gather3A_71 {strides = array<i32>} : memref<128xi32, #tpu.memory_space<vmem>>, vector<16xi32>,
      %get3A_77 = arith.constant 64 : index
      %get3A_78 = tpu.vector_load %arg6[%get3A_77] {strides = array<i32>} : memref<128xi32, #tpu.memory_space<vmem>>, vector<16xi32>,
      %gather3A_79 = tpu.vector_load_idx %arg5[%get3A_78] : memref<128xi32, #tpu.memory_space<vmem>>[vector<16xi32>], vector<16xi32>,
      %add3A_80 = arith.constant 64 : i32
      %add3A_81 = vector.broadcast %add3A_80 : i32 to vector<16xi32>
      %add3A_82 = arith.addi %iota3A, %add3A_81 : vector<16xi32>
      tpu.vector_store_idx %arg8[%gather3A_79, %add3A_82], %broadcast_in_dim3A_3 : memref<119x128xf32, #tpu.memory_space<vmem>>[vector<16xi32>, vector<16xi32>], vector<16xf32>,
      %swap3A_83 = arith.constant 64 : index
      %swap3A_84 = tpu.vector_load %arg7[%swap3A_83] {strides = array<i32>} : memref<128xi32, #tpu.memory_space<vmem>>, vector<16xi32>,
      tpu.vector_store %arg7[%swap3A_83], %gather3A_79 {strides = array<i32>} : memref<128xi32, #tpu.memory_space<vmem>>, vector<16xi32>,
      %get3A_85 = arith.constant 80 : index
      %get3A_86 = tpu.vector_load %arg6[%get3A_85] {strides = array<i32>} : memref<128xi32, #tpu.memory_space<vmem>>, vector<16xi32>,
      %gather3A_87 = tpu.vector_load_idx %arg5[%get3A_86] : memref<128xi32, #tpu.memory_space<vmem>>[vector<16xi32>], vector<16xi32>,
      %add3A_88 = arith.constant 80 : i32
      %add3A_89 = vector.broadcast %add3A_88 : i32 to vector<16xi32>
      %add3A_90 = arith.addi %iota3A, %add3A_89 : vector<16xi32>
      tpu.vector_store_idx %arg8[%gather3A_87, %add3A_90], %broadcast_in_dim3A_3 : memref<119x128xf32, #tpu.memory_space<vmem>>[vector<16xi32>, vector<16xi32>], vector<16xf32>,
      %swap3A_91 = arith.constant 80 : index
      %swap3A_92 = tpu.vector_load %arg7[%swap3A_91] {strides = array<i32>} : memref<128xi32, #tpu.memory_space<vmem>>, vector<16xi32>,
      tpu.vector_store %arg7[%swap3A_91], %gather3A_87 {strides = array<i32>} : memref<128xi32, #tpu.memory_space<vmem>>, vector<16xi32>,
      %get3A_93 = arith.constant 96 : index
      %get3A_94 = tpu.vector_load %arg6[%get3A_93] {strides = array<i32>} : memref<128xi32, #tpu.memory_space<vmem>>, vector<16xi32>,
      %gather3A_95 = tpu.vector_load_idx %arg5[%get3A_94] : memref<128xi32, #tpu.memory_space<vmem>>[vector<16xi32>], vector<16xi32>,
      %add3A_96 = arith.constant 96 : i32
      %add3A_97 = vector.broadcast %add3A_96 : i32 to vector<16xi32>
      %add3A_98 = arith.addi %iota3A, %add3A_97 : vector<16xi32>
      tpu.vector_store_idx %arg8[%gather3A_95, %add3A_98], %broadcast_in_dim3A_3 : memref<119x128xf32, #tpu.memory_space<vmem>>[vector<16xi32>, vector<16xi32>], vector<16xf32>,
      %swap3A_99 = arith.constant 96 : index
      %swap3A_100 = tpu.vector_load %arg7[%swap3A_99] {strides = array<i32>} : memref<128xi32, #tpu.memory_space<vmem>>, vector<16xi32>,
      tpu.vector_store %arg7[%swap3A_99], %gather3A_95 {strides = array<i32>} : memref<128xi32, #tpu.memory_space<vmem>>, vector<16xi32>,
      %get3A_101 = arith.constant 112 : index
      %get3A_102 = tpu.vector_load %arg6[%get3A_101] {strides = array<i32>} : memref<128xi32, #tpu.memory_space<vmem>>, vector<16xi32>,
      %gather3A_103 = tpu.vector_load_idx %arg5[%get3A_102] : memref<128xi32, #tpu.memory_space<vmem>>[vector<16xi32>], vector<16xi32>,
      %add3A_104 = arith.constant 112 : i32
      %add3A_105 = vector.broadcast %add3A_104 : i32 to vector<16xi32>
      %add3A_106 = arith.addi %iota3A, %add3A_105 : vector<16xi32>
      tpu.vector_store_idx %arg8[%gather3A_103, %add3A_106], %broadcast_in_dim3A_3 : memref<119x128xf32, #tpu.memory_space<vmem>>[vector<16xi32>, vector<16xi32>], vector<16xf32>,
      %swap3A_107 = arith.constant 112 : index
      %swap3A_108 = tpu.vector_load %arg7[%swap3A_107] {strides = array<i32>} : memref<128xi32, #tpu.memory_space<vmem>>, vector<16xi32>,
      tpu.vector_store %arg7[%swap3A_107], %gather3A_103 {strides = array<i32>} : memref<128xi32, #tpu.memory_space<vmem>>, vector<16xi32>,
      %mul3A_109 = arith.constant 128 : i32
      %mul3A_110 = arith.muli %add3A_45, %mul3A_109 : i32
      "tpu.region"() ({
        %run_scoped3A = tpu.sem_alloc : memref<!tpu.dma_semaphore, #tpu.memory_space<semaphore_mem>>
        %dma_start3A = arith.constant 0 : i32
        %dma_start3A_151 = tpu.memref_slice %arg4[%dma_start3A, %mul3A_110] : memref<119x100000xf32, #tpu.memory_space<hbm>> -> memref<119x128xf32, #tpu.memory_space<hbm>>
        %dma_start3A_152 = arith.constant 0 : i32
        %dma_start3A_153 = tpu.memref_slice %arg4[%dma_start3A_152, %mul3A_110] : memref<119x100000xf32, #tpu.memory_space<hbm>> -> memref<119x128xf32, #tpu.memory_space<hbm>>
        tpu.enqueue_dma source(%arg8 : memref<119x128xf32, #tpu.memory_space<vmem>>) target(%dma_start3A_153 : memref<119x128xf32, #tpu.memory_space<hbm>>) target_semaphore(%run_scoped3A : memref<!tpu.dma_semaphore, #tpu.memory_space<semaphore_mem>>)
        %dma_wait3A = arith.constant 0 : i32
        %dma_wait3A_154 = tpu.memref_slice %arg4[%dma_wait3A, %mul3A_110] : memref<119x100000xf32, #tpu.memory_space<hbm>> -> memref<119x128xf32, #tpu.memory_space<hbm>>
        %dma_wait3A_155 = arith.constant 0 : i32
        %dma_wait3A_156 = tpu.memref_slice %arg4[%dma_wait3A_155, %mul3A_110] : memref<119x100000xf32, #tpu.memory_space<hbm>> -> memref<119x128xf32, #tpu.memory_space<hbm>>
        tpu.wait_dma2 semaphore(%run_scoped3A : memref<!tpu.dma_semaphore, #tpu.memory_space<semaphore_mem>>) src(%arg8 : memref<119x128xf32, #tpu.memory_space<vmem>>) dst(%dma_wait3A_156 : memref<119x128xf32, #tpu.memory_space<hbm>>)
        tpu.yield
      }) : () -> ()
      %get3A_111 = arith.constant 0 : index
      %get3A_112 = tpu.vector_load %arg7[%get3A_111] {strides = array<i32>} : memref<128xi32, #tpu.memory_space<vmem>>, vector<16xi32>,
      %add3A_113 = arith.constant 0 : i32
      %add3A_114 = vector.broadcast %add3A_113 : i32 to vector<16xi32>
      %add3A_115 = arith.addi %iota3A, %add3A_114 : vector<16xi32>
      tpu.vector_store_idx %arg8[%get3A_112, %add3A_115], %broadcast_in_dim3A_1 : memref<119x128xf32, #tpu.memory_space<vmem>>[vector<16xi32>, vector<16xi32>], vector<16xf32>,
      %get3A_116 = arith.constant 16 : index
      %get3A_117 = tpu.vector_load %arg7[%get3A_116] {strides = array<i32>} : memref<128xi32, #tpu.memory_space<vmem>>, vector<16xi32>,
      %add3A_118 = arith.constant 16 : i32
      %add3A_119 = vector.broadcast %add3A_118 : i32 to vector<16xi32>
      %add3A_120 = arith.addi %iota3A, %add3A_119 : vector<16xi32>
      tpu.vector_store_idx %arg8[%get3A_117, %add3A_120], %broadcast_in_dim3A_1 : memref<119x128xf32, #tpu.memory_space<vmem>>[vector<16xi32>, vector<16xi32>], vector<16xf32>,
      %get3A_121 = arith.constant 32 : index
      %get3A_122 = tpu.vector_load %arg7[%get3A_121] {strides = array<i32>} : memref<128xi32, #tpu.memory_space<vmem>>, vector<16xi32>,
      %add3A_123 = arith.constant 32 : i32
      %add3A_124 = vector.broadcast %add3A_123 : i32 to vector<16xi32>
      %add3A_125 = arith.addi %iota3A, %add3A_124 : vector<16xi32>
      tpu.vector_store_idx %arg8[%get3A_122, %add3A_125], %broadcast_in_dim3A_1 : memref<119x128xf32, #tpu.memory_space<vmem>>[vector<16xi32>, vector<16xi32>], vector<16xf32>,
      %get3A_126 = arith.constant 48 : index
      %get3A_127 = tpu.vector_load %arg7[%get3A_126] {strides = array<i32>} : memref<128xi32, #tpu.memory_space<vmem>>, vector<16xi32>,
      %add3A_128 = arith.constant 48 : i32
      %add3A_129 = vector.broadcast %add3A_128 : i32 to vector<16xi32>
      %add3A_130 = arith.addi %iota3A, %add3A_129 : vector<16xi32>
      tpu.vector_store_idx %arg8[%get3A_127, %add3A_130], %broadcast_in_dim3A_1 : memref<119x128xf32, #tpu.memory_space<vmem>>[vector<16xi32>, vector<16xi32>], vector<16xf32>,
      %get3A_131 = arith.constant 64 : index
      %get3A_132 = tpu.vector_load %arg7[%get3A_131] {strides = array<i32>} : memref<128xi32, #tpu.memory_space<vmem>>, vector<16xi32>,
      %add3A_133 = arith.constant 64 : i32
      %add3A_134 = vector.broadcast %add3A_133 : i32 to vector<16xi32>
      %add3A_135 = arith.addi %iota3A, %add3A_134 : vector<16xi32>
      tpu.vector_store_idx %arg8[%get3A_132, %add3A_135], %broadcast_in_dim3A_1 : memref<119x128xf32, #tpu.memory_space<vmem>>[vector<16xi32>, vector<16xi32>], vector<16xf32>,
      %get3A_136 = arith.constant 80 : index
      %get3A_137 = tpu.vector_load %arg7[%get3A_136] {strides = array<i32>} : memref<128xi32, #tpu.memory_space<vmem>>, vector<16xi32>,
      %add3A_138 = arith.constant 80 : i32
      %add3A_139 = vector.broadcast %add3A_138 : i32 to vector<16xi32>
      %add3A_140 = arith.addi %iota3A, %add3A_139 : vector<16xi32>
      tpu.vector_store_idx %arg8[%get3A_137, %add3A_140], %broadcast_in_dim3A_1 : memref<119x128xf32, #tpu.memory_space<vmem>>[vector<16xi32>, vector<16xi32>], vector<16xf32>,
      %get3A_141 = arith.constant 96 : index
      %get3A_142 = tpu.vector_load %arg7[%get3A_141] {strides = array<i32>} : memref<128xi32, #tpu.memory_space<vmem>>, vector<16xi32>,
      %add3A_143 = arith.constant 96 : i32
      %add3A_144 = vector.broadcast %add3A_143 : i32 to vector<16xi32>
      %add3A_145 = arith.addi %iota3A, %add3A_144 : vector<16xi32>
      tpu.vector_store_idx %arg8[%get3A_142, %add3A_145], %broadcast_in_dim3A_1 : memref<119x128xf32, #tpu.memory_space<vmem>>[vector<16xi32>, vector<16xi32>], vector<16xf32>,
      %get3A_146 = arith.constant 112 : index
      %get3A_147 = tpu.vector_load %arg7[%get3A_146] {strides = array<i32>} : memref<128xi32, #tpu.memory_space<vmem>>, vector<16xi32>,
      %add3A_148 = arith.constant 112 : i32
      %add3A_149 = vector.broadcast %add3A_148 : i32 to vector<16xi32>
      %add3A_150 = arith.addi %iota3A, %add3A_149 : vector<16xi32>
      tpu.vector_store_idx %arg8[%get3A_147, %add3A_150], %broadcast_in_dim3A_1 : memref<119x128xf32, #tpu.memory_space<vmem>>[vector<16xi32>, vector<16xi32>], vector<16xf32>,
    }
    %while3A_39 = arith.constant 1 : i32
    scf.for %while3A_42 = %while3A_37 to %while3A_33 step %while3A_39  : i32 {
      %mul3A_43 = arith.constant 32 : i32
      %mul3A_44 = arith.muli %while3A_42, %mul3A_43 : i32
      %add3A_45 = arith.addi %add3A, %mul3A_44 : i32
      %mul3A_46 = arith.constant 128 : i32
      %mul3A_47 = arith.muli %add3A_45, %mul3A_46 : i32
      "tpu.region"() ({
        %run_scoped3A = tpu.sem_alloc : memref<!tpu.dma_semaphore, #tpu.memory_space<semaphore_mem>>
        %dma_start3A = tpu.memref_slice %arg2[%mul3A_47] : memref<100000xi32, #tpu.memory_space<hbm>> -> memref<128xi32, #tpu.memory_space<hbm>>
        %dma_start3A_151 = tpu.memref_slice %arg2[%mul3A_47] : memref<100000xi32, #tpu.memory_space<hbm>> -> memref<128xi32, #tpu.memory_space<hbm>>
        tpu.enqueue_dma source(%dma_start3A_151 : memref<128xi32, #tpu.memory_space<hbm>>) target(%arg6 : memref<128xi32, #tpu.memory_space<vmem>>) target_semaphore(%run_scoped3A : memref<!tpu.dma_semaphore, #tpu.memory_space<semaphore_mem>>)
        %dma_wait3A = tpu.memref_slice %arg2[%mul3A_47] : memref<100000xi32, #tpu.memory_space<hbm>> -> memref<128xi32, #tpu.memory_space<hbm>>
        %dma_wait3A_152 = tpu.memref_slice %arg2[%mul3A_47] : memref<100000xi32, #tpu.memory_space<hbm>> -> memref<128xi32, #tpu.memory_space<hbm>>
        tpu.wait_dma2 semaphore(%run_scoped3A : memref<!tpu.dma_semaphore, #tpu.memory_space<semaphore_mem>>) src(%dma_wait3A_152 : memref<128xi32, #tpu.memory_space<hbm>>) dst(%arg6 : memref<128xi32, #tpu.memory_space<vmem>>)
        tpu.yield
      }) : () -> ()
      %get3A = arith.constant 0 : index
      %get3A_48 = tpu.vector_load %arg6[%get3A] {strides = array<i32>} : memref<128xi32, #tpu.memory_space<vmem>>, vector<16xi32>,
      %gather3A = tpu.vector_load_idx %arg5[%get3A_48] : memref<128xi32, #tpu.memory_space<vmem>>[vector<16xi32>], vector<16xi32>,
      %add3A_49 = arith.constant 0 : i32
      %add3A_50 = vector.broadcast %add3A_49 : i32 to vector<16xi32>
      %add3A_51 = arith.addi %iota3A, %add3A_50 : vector<16xi32>
      tpu.vector_store_idx %arg8[%gather3A, %add3A_51], %broadcast_in_dim3A_3 : memref<119x128xf32, #tpu.memory_space<vmem>>[vector<16xi32>, vector<16xi32>], vector<16xf32>,
      %swap3A = arith.constant 0 : index
      %swap3A_52 = tpu.vector_load %arg7[%swap3A] {strides = array<i32>} : memref<128xi32, #tpu.memory_space<vmem>>, vector<16xi32>,
      tpu.vector_store %arg7[%swap3A], %gather3A {strides = array<i32>} : memref<128xi32, #tpu.memory_space<vmem>>, vector<16xi32>,
      %get3A_53 = arith.constant 16 : index
      %get3A_54 = tpu.vector_load %arg6[%get3A_53] {strides = array<i32>} : memref<128xi32, #tpu.memory_space<vmem>>, vector<16xi32>,
      %gather3A_55 = tpu.vector_load_idx %arg5[%get3A_54] : memref<128xi32, #tpu.memory_space<vmem>>[vector<16xi32>], vector<16xi32>,
      %add3A_56 = arith.constant 16 : i32
      %add3A_57 = vector.broadcast %add3A_56 : i32 to vector<16xi32>
      %add3A_58 = arith.addi %iota3A, %add3A_57 : vector<16xi32>
      tpu.vector_store_idx %arg8[%gather3A_55, %add3A_58], %broadcast_in_dim3A_3 : memref<119x128xf32, #tpu.memory_space<vmem>>[vector<16xi32>, vector<16xi32>], vector<16xf32>,
      %swap3A_59 = arith.constant 16 : index
      %swap3A_60 = tpu.vector_load %arg7[%swap3A_59] {strides = array<i32>} : memref<128xi32, #tpu.memory_space<vmem>>, vector<16xi32>,
      tpu.vector_store %arg7[%swap3A_59], %gather3A_55 {strides = array<i32>} : memref<128xi32, #tpu.memory_space<vmem>>, vector<16xi32>,
      %get3A_61 = arith.constant 32 : index
      %get3A_62 = tpu.vector_load %arg6[%get3A_61] {strides = array<i32>} : memref<128xi32, #tpu.memory_space<vmem>>, vector<16xi32>,
      %gather3A_63 = tpu.vector_load_idx %arg5[%get3A_62] : memref<128xi32, #tpu.memory_space<vmem>>[vector<16xi32>], vector<16xi32>,
      %add3A_64 = arith.constant 32 : i32
      %add3A_65 = vector.broadcast %add3A_64 : i32 to vector<16xi32>
      %add3A_66 = arith.addi %iota3A, %add3A_65 : vector<16xi32>
      tpu.vector_store_idx %arg8[%gather3A_63, %add3A_66], %broadcast_in_dim3A_3 : memref<119x128xf32, #tpu.memory_space<vmem>>[vector<16xi32>, vector<16xi32>], vector<16xf32>,
      %swap3A_67 = arith.constant 32 : index
      %swap3A_68 = tpu.vector_load %arg7[%swap3A_67] {strides = array<i32>} : memref<128xi32, #tpu.memory_space<vmem>>, vector<16xi32>,
      tpu.vector_store %arg7[%swap3A_67], %gather3A_63 {strides = array<i32>} : memref<128xi32, #tpu.memory_space<vmem>>, vector<16xi32>,
      %get3A_69 = arith.constant 48 : index
      %get3A_70 = tpu.vector_load %arg6[%get3A_69] {strides = array<i32>} : memref<128xi32, #tpu.memory_space<vmem>>, vector<16xi32>,
      %gather3A_71 = tpu.vector_load_idx %arg5[%get3A_70] : memref<128xi32, #tpu.memory_space<vmem>>[vector<16xi32>], vector<16xi32>,
      %add3A_72 = arith.constant 48 : i32
      %add3A_73 = vector.broadcast %add3A_72 : i32 to vector<16xi32>
      %add3A_74 = arith.addi %iota3A, %add3A_73 : vector<16xi32>
      tpu.vector_store_idx %arg8[%gather3A_71, %add3A_74], %broadcast_in_dim3A_3 : memref<119x128xf32, #tpu.memory_space<vmem>>[vector<16xi32>, vector<16xi32>], vector<16xf32>,
      %swap3A_75 = arith.constant 48 : index
      %swap3A_76 = tpu.vector_load %arg7[%swap3A_75] {strides = array<i32>} : memref<128xi32, #tpu.memory_space<vmem>>, vector<16xi32>,
      tpu.vector_store %arg7[%swap3A_75], %gather3A_71 {strides = array<i32>} : memref<128xi32, #tpu.memory_space<vmem>>, vector<16xi32>,
      %get3A_77 = arith.constant 64 : index
      %get3A_78 = tpu.vector_load %arg6[%get3A_77] {strides = array<i32>} : memref<128xi32, #tpu.memory_space<vmem>>, vector<16xi32>,
      %gather3A_79 = tpu.vector_load_idx %arg5[%get3A_78] : memref<128xi32, #tpu.memory_space<vmem>>[vector<16xi32>], vector<16xi32>,
      %add3A_80 = arith.constant 64 : i32
      %add3A_81 = vector.broadcast %add3A_80 : i32 to vector<16xi32>
      %add3A_82 = arith.addi %iota3A, %add3A_81 : vector<16xi32>
      tpu.vector_store_idx %arg8[%gather3A_79, %add3A_82], %broadcast_in_dim3A_3 : memref<119x128xf32, #tpu.memory_space<vmem>>[vector<16xi32>, vector<16xi32>], vector<16xf32>,
      %swap3A_83 = arith.constant 64 : index
      %swap3A_84 = tpu.vector_load %arg7[%swap3A_83] {strides = array<i32>} : memref<128xi32, #tpu.memory_space<vmem>>, vector<16xi32>,
      tpu.vector_store %arg7[%swap3A_83], %gather3A_79 {strides = array<i32>} : memref<128xi32, #tpu.memory_space<vmem>>, vector<16xi32>,
      %get3A_85 = arith.constant 80 : index
      %get3A_86 = tpu.vector_load %arg6[%get3A_85] {strides = array<i32>} : memref<128xi32, #tpu.memory_space<vmem>>, vector<16xi32>,
      %gather3A_87 = tpu.vector_load_idx %arg5[%get3A_86] : memref<128xi32, #tpu.memory_space<vmem>>[vector<16xi32>], vector<16xi32>,
      %add3A_88 = arith.constant 80 : i32
      %add3A_89 = vector.broadcast %add3A_88 : i32 to vector<16xi32>
      %add3A_90 = arith.addi %iota3A, %add3A_89 : vector<16xi32>
      tpu.vector_store_idx %arg8[%gather3A_87, %add3A_90], %broadcast_in_dim3A_3 : memref<119x128xf32, #tpu.memory_space<vmem>>[vector<16xi32>, vector<16xi32>], vector<16xf32>,
      %swap3A_91 = arith.constant 80 : index
      %swap3A_92 = tpu.vector_load %arg7[%swap3A_91] {strides = array<i32>} : memref<128xi32, #tpu.memory_space<vmem>>, vector<16xi32>,
      tpu.vector_store %arg7[%swap3A_91], %gather3A_87 {strides = array<i32>} : memref<128xi32, #tpu.memory_space<vmem>>, vector<16xi32>,
      %get3A_93 = arith.constant 96 : index
      %get3A_94 = tpu.vector_load %arg6[%get3A_93] {strides = array<i32>} : memref<128xi32, #tpu.memory_space<vmem>>, vector<16xi32>,
      %gather3A_95 = tpu.vector_load_idx %arg5[%get3A_94] : memref<128xi32, #tpu.memory_space<vmem>>[vector<16xi32>], vector<16xi32>,
      %add3A_96 = arith.constant 96 : i32
      %add3A_97 = vector.broadcast %add3A_96 : i32 to vector<16xi32>
      %add3A_98 = arith.addi %iota3A, %add3A_97 : vector<16xi32>
      tpu.vector_store_idx %arg8[%gather3A_95, %add3A_98], %broadcast_in_dim3A_3 : memref<119x128xf32, #tpu.memory_space<vmem>>[vector<16xi32>, vector<16xi32>], vector<16xf32>,
      %swap3A_99 = arith.constant 96 : index
      %swap3A_100 = tpu.vector_load %arg7[%swap3A_99] {strides = array<i32>} : memref<128xi32, #tpu.memory_space<vmem>>, vector<16xi32>,
      tpu.vector_store %arg7[%swap3A_99], %gather3A_95 {strides = array<i32>} : memref<128xi32, #tpu.memory_space<vmem>>, vector<16xi32>,
      %get3A_101 = arith.constant 112 : index
      %get3A_102 = tpu.vector_load %arg6[%get3A_101] {strides = array<i32>} : memref<128xi32, #tpu.memory_space<vmem>>, vector<16xi32>,
      %gather3A_103 = tpu.vector_load_idx %arg5[%get3A_102] : memref<128xi32, #tpu.memory_space<vmem>>[vector<16xi32>], vector<16xi32>,
      %add3A_104 = arith.constant 112 : i32
      %add3A_105 = vector.broadcast %add3A_104 : i32 to vector<16xi32>
      %add3A_106 = arith.addi %iota3A, %add3A_105 : vector<16xi32>
      tpu.vector_store_idx %arg8[%gather3A_103, %add3A_106], %broadcast_in_dim3A_3 : memref<119x128xf32, #tpu.memory_space<vmem>>[vector<16xi32>, vector<16xi32>], vector<16xf32>,
      %swap3A_107 = arith.constant 112 : index
      %swap3A_108 = tpu.vector_load %arg7[%swap3A_107] {strides = array<i32>} : memref<128xi32, #tpu.memory_space<vmem>>, vector<16xi32>,
      tpu.vector_store %arg7[%swap3A_107], %gather3A_103 {strides = array<i32>} : memref<128xi32, #tpu.memory_space<vmem>>, vector<16xi32>,
      %mul3A_109 = arith.constant 128 : i32
      %mul3A_110 = arith.muli %add3A_45, %mul3A_109 : i32
      "tpu.region"() ({
        %run_scoped3A = tpu.sem_alloc : memref<!tpu.dma_semaphore, #tpu.memory_space<semaphore_mem>>
        %dma_start3A = arith.constant 0 : i32
        %dma_start3A_151 = tpu.memref_slice %arg4[%dma_start3A, %mul3A_110] : memref<119x100000xf32, #tpu.memory_space<hbm>> -> memref<119x128xf32, #tpu.memory_space<hbm>>
        %dma_start3A_152 = arith.constant 0 : i32
        %dma_start3A_153 = tpu.memref_slice %arg4[%dma_start3A_152, %mul3A_110] : memref<119x100000xf32, #tpu.memory_space<hbm>> -> memref<119x128xf32, #tpu.memory_space<hbm>>
        tpu.enqueue_dma source(%arg8 : memref<119x128xf32, #tpu.memory_space<vmem>>) target(%dma_start3A_153 : memref<119x128xf32, #tpu.memory_space<hbm>>) target_semaphore(%run_scoped3A : memref<!tpu.dma_semaphore, #tpu.memory_space<semaphore_mem>>)
        %dma_wait3A = arith.constant 0 : i32
        %dma_wait3A_154 = tpu.memref_slice %arg4[%dma_wait3A, %mul3A_110] : memref<119x100000xf32, #tpu.memory_space<hbm>> -> memref<119x128xf32, #tpu.memory_space<hbm>>
        %dma_wait3A_155 = arith.constant 0 : i32
        %dma_wait3A_156 = tpu.memref_slice %arg4[%dma_wait3A_155, %mul3A_110] : memref<119x100000xf32, #tpu.memory_space<hbm>> -> memref<119x128xf32, #tpu.memory_space<hbm>>
        tpu.wait_dma2 semaphore(%run_scoped3A : memref<!tpu.dma_semaphore, #tpu.memory_space<semaphore_mem>>) src(%arg8 : memref<119x128xf32, #tpu.memory_space<vmem>>) dst(%dma_wait3A_156 : memref<119x128xf32, #tpu.memory_space<hbm>>)
        tpu.yield
      }) : () -> ()
      %get3A_111 = arith.constant 0 : index
      %get3A_112 = tpu.vector_load %arg7[%get3A_111] {strides = array<i32>} : memref<128xi32, #tpu.memory_space<vmem>>, vector<16xi32>,
      %add3A_113 = arith.constant 0 : i32
      %add3A_114 = vector.broadcast %add3A_113 : i32 to vector<16xi32>
      %add3A_115 = arith.addi %iota3A, %add3A_114 : vector<16xi32>
      tpu.vector_store_idx %arg8[%get3A_112, %add3A_115], %broadcast_in_dim3A_1 : memref<119x128xf32, #tpu.memory_space<vmem>>[vector<16xi32>, vector<16xi32>], vector<16xf32>,
      %get3A_116 = arith.constant 16 : index
      %get3A_117 = tpu.vector_load %arg7[%get3A_116] {strides = array<i32>} : memref<128xi32, #tpu.memory_space<vmem>>, vector<16xi32>,
      %add3A_118 = arith.constant 16 : i32
      %add3A_119 = vector.broadcast %add3A_118 : i32 to vector<16xi32>
      %add3A_120 = arith.addi %iota3A, %add3A_119 : vector<16xi32>
      tpu.vector_store_idx %arg8[%get3A_117, %add3A_120], %broadcast_in_dim3A_1 : memref<119x128xf32, #tpu.memory_space<vmem>>[vector<16xi32>, vector<16xi32>], vector<16xf32>,
      %get3A_121 = arith.constant 32 : index
      %get3A_122 = tpu.vector_load %arg7[%get3A_121] {strides = array<i32>} : memref<128xi32, #tpu.memory_space<vmem>>, vector<16xi32>,
      %add3A_123 = arith.constant 32 : i32
      %add3A_124 = vector.broadcast %add3A_123 : i32 to vector<16xi32>
      %add3A_125 = arith.addi %iota3A, %add3A_124 : vector<16xi32>
      tpu.vector_store_idx %arg8[%get3A_122, %add3A_125], %broadcast_in_dim3A_1 : memref<119x128xf32, #tpu.memory_space<vmem>>[vector<16xi32>, vector<16xi32>], vector<16xf32>,
      %get3A_126 = arith.constant 48 : index
      %get3A_127 = tpu.vector_load %arg7[%get3A_126] {strides = array<i32>} : memref<128xi32, #tpu.memory_space<vmem>>, vector<16xi32>,
      %add3A_128 = arith.constant 48 : i32
      %add3A_129 = vector.broadcast %add3A_128 : i32 to vector<16xi32>
      %add3A_130 = arith.addi %iota3A, %add3A_129 : vector<16xi32>
      tpu.vector_store_idx %arg8[%get3A_127, %add3A_130], %broadcast_in_dim3A_1 : memref<119x128xf32, #tpu.memory_space<vmem>>[vector<16xi32>, vector<16xi32>], vector<16xf32>,
      %get3A_131 = arith.constant 64 : index
      %get3A_132 = tpu.vector_load %arg7[%get3A_131] {strides = array<i32>} : memref<128xi32, #tpu.memory_space<vmem>>, vector<16xi32>,
      %add3A_133 = arith.constant 64 : i32
      %add3A_134 = vector.broadcast %add3A_133 : i32 to vector<16xi32>
      %add3A_135 = arith.addi %iota3A, %add3A_134 : vector<16xi32>
      tpu.vector_store_idx %arg8[%get3A_132, %add3A_135], %broadcast_in_dim3A_1 : memref<119x128xf32, #tpu.memory_space<vmem>>[vector<16xi32>, vector<16xi32>], vector<16xf32>,
      %get3A_136 = arith.constant 80 : index
      %get3A_137 = tpu.vector_load %arg7[%get3A_136] {strides = array<i32>} : memref<128xi32, #tpu.memory_space<vmem>>, vector<16xi32>,
      %add3A_138 = arith.constant 80 : i32
      %add3A_139 = vector.broadcast %add3A_138 : i32 to vector<16xi32>
      %add3A_140 = arith.addi %iota3A, %add3A_139 : vector<16xi32>
      tpu.vector_store_idx %arg8[%get3A_137, %add3A_140], %broadcast_in_dim3A_1 : memref<119x128xf32, #tpu.memory_space<vmem>>[vector<16xi32>, vector<16xi32>], vector<16xf32>,
      %get3A_141 = arith.constant 96 : index
      %get3A_142 = tpu.vector_load %arg7[%get3A_141] {strides = array<i32>} : memref<128xi32, #tpu.memory_space<vmem>>, vector<16xi32>,
      %add3A_143 = arith.constant 96 : i32
      %add3A_144 = vector.broadcast %add3A_143 : i32 to vector<16xi32>
      %add3A_145 = arith.addi %iota3A, %add3A_144 : vector<16xi32>
      tpu.vector_store_idx %arg8[%get3A_142, %add3A_145], %broadcast_in_dim3A_1 : memref<119x128xf32, #tpu.memory_space<vmem>>[vector<16xi32>, vector<16xi32>], vector<16xf32>,
      %get3A_146 = arith.constant 112 : index
      %get3A_147 = tpu.vector_load %arg7[%get3A_146] {strides = array<i32>} : memref<128xi32, #tpu.memory_space<vmem>>, vector<16xi32>,
      %add3A_148 = arith.constant 112 : i32
      %add3A_149 = vector.broadcast %add3A_148 : i32 to vector<16xi32>
      %add3A_150 = arith.addi %iota3A, %add3A_149 : vector<16xi32>
      tpu.vector_store_idx %arg8[%get3A_147, %add3A_150], %broadcast_in_dim3A_1 : memref<119x128xf32, #tpu.memory_space<vmem>>[vector<16xi32>, vector<16xi32>], vector<16xf32>,
    }
    %eq3A = arith.constant 13 : i32
    %eq3A_40 = arith.cmpi eq, %add3A, %eq3A : i32
    %convert_element_type3A = arith.extui %eq3A_40 : i1 to i32
    %cond3A = arith.constant 0 : i32
    %cond3A_41 = arith.cmpi ne, %convert_element_type3A, %cond3A : i32
    scf.if %cond3A_41 {
      %scan3A_42 = arith.constant 0 : i32
      %scan3A_43 = arith.constant 0 : i32
      %scan3A_44 = arith.constant 119 : i32
      %scan3A_45 = arith.addi %scan3A_43, %scan3A_44 : i32
      %scan3A_46 = arith.constant 1 : i32
      scf.for %scan3A_58 = %scan3A_43 to %scan3A_45 step %scan3A_46  : i32 {
        %swap3A = arith.index_cast %scan3A_58 : i32 to index
        %swap3A_59 = arith.constant 0 : index
        %swap3A_60 = tpu.vector_load %arg9[%swap3A, %swap3A_59] {strides = array<i32>} : memref<119x32xf32, #tpu.memory_space<vmem>>, vector<16xf32>,
        tpu.vector_store %arg9[%swap3A, %swap3A_59], %broadcast_in_dim3A_1 {strides = array<i32>} : memref<119x32xf32, #tpu.memory_space<vmem>>, vector<16xf32>,
        %swap3A_61 = arith.index_cast %scan3A_58 : i32 to index
        %swap3A_62 = arith.constant 16 : index
        %swap3A_63 = tpu.vector_load %arg9[%swap3A_61, %swap3A_62] {strides = array<i32>} : memref<119x32xf32, #tpu.memory_space<vmem>>, vector<16xf32>,
        tpu.vector_store %arg9[%swap3A_61, %swap3A_62], %broadcast_in_dim3A_1 {strides = array<i32>} : memref<119x32xf32, #tpu.memory_space<vmem>>, vector<16xf32>,
      }
      %scan3A_47 = arith.constant 119 : i32
      "tpu.region"() ({
        %run_scoped3A = tpu.sem_alloc : memref<!tpu.dma_semaphore, #tpu.memory_space<semaphore_mem>>
        %dma_start3A = arith.constant 0 : i32
        %dma_start3A_58 = tpu.memref_slice %arg6[%dma_start3A] : memref<128xi32, #tpu.memory_space<vmem>> -> memref<32xi32, #tpu.memory_space<vmem>>
        %dma_start3A_59 = arith.constant 99968 : i32
        %dma_start3A_60 = tpu.memref_slice %arg2[%dma_start3A_59] : memref<100000xi32, #tpu.memory_space<hbm>> -> memref<32xi32, #tpu.memory_space<hbm>>
        %dma_start3A_61 = arith.constant 0 : i32
        %dma_start3A_62 = tpu.memref_slice %arg6[%dma_start3A_61] : memref<128xi32, #tpu.memory_space<vmem>> -> memref<32xi32, #tpu.memory_space<vmem>>
        %dma_start3A_63 = arith.constant 99968 : i32
        %dma_start3A_64 = tpu.memref_slice %arg2[%dma_start3A_63] : memref<100000xi32, #tpu.memory_space<hbm>> -> memref<32xi32, #tpu.memory_space<hbm>>
        tpu.enqueue_dma source(%dma_start3A_64 : memref<32xi32, #tpu.memory_space<hbm>>) target(%dma_start3A_62 : memref<32xi32, #tpu.memory_space<vmem>>) target_semaphore(%run_scoped3A : memref<!tpu.dma_semaphore, #tpu.memory_space<semaphore_mem>>)
        %dma_wait3A = arith.constant 0 : i32
        %dma_wait3A_65 = tpu.memref_slice %arg6[%dma_wait3A] : memref<128xi32, #tpu.memory_space<vmem>> -> memref<32xi32, #tpu.memory_space<vmem>>
        %dma_wait3A_66 = arith.constant 99968 : i32
        %dma_wait3A_67 = tpu.memref_slice %arg2[%dma_wait3A_66] : memref<100000xi32, #tpu.memory_space<hbm>> -> memref<32xi32, #tpu.memory_space<hbm>>
        %dma_wait3A_68 = arith.constant 0 : i32
        %dma_wait3A_69 = tpu.memref_slice %arg6[%dma_wait3A_68] : memref<128xi32, #tpu.memory_space<vmem>> -> memref<32xi32, #tpu.memory_space<vmem>>
        %dma_wait3A_70 = arith.constant 99968 : i32
        %dma_wait3A_71 = tpu.memref_slice %arg2[%dma_wait3A_70] : memref<100000xi32, #tpu.memory_space<hbm>> -> memref<32xi32, #tpu.memory_space<hbm>>
        tpu.wait_dma2 semaphore(%run_scoped3A : memref<!tpu.dma_semaphore, #tpu.memory_space<semaphore_mem>>) src(%dma_wait3A_71 : memref<32xi32, #tpu.memory_space<hbm>>) dst(%dma_wait3A_69 : memref<32xi32, #tpu.memory_space<vmem>>)
        tpu.yield
      }) : () -> ()
      %get3A = arith.constant 0 : index
      %get3A_48 = tpu.vector_load %arg6[%get3A] {strides = array<i32>} : memref<128xi32, #tpu.memory_space<vmem>>, vector<16xi32>,
      %gather3A = tpu.vector_load_idx %arg5[%get3A_48] : memref<128xi32, #tpu.memory_space<vmem>>[vector<16xi32>], vector<16xi32>,
      %add3A_49 = arith.constant 0 : i32
      %add3A_50 = vector.broadcast %add3A_49 : i32 to vector<16xi32>
      %add3A_51 = arith.addi %iota3A, %add3A_50 : vector<16xi32>
      tpu.vector_store_idx %arg9[%gather3A, %add3A_51], %broadcast_in_dim3A_3 : memref<119x32xf32, #tpu.memory_space<vmem>>[vector<16xi32>, vector<16xi32>], vector<16xf32>,
      %get3A_52 = arith.constant 16 : index
      %get3A_53 = tpu.vector_load %arg6[%get3A_52] {strides = array<i32>} : memref<128xi32, #tpu.memory_space<vmem>>, vector<16xi32>,
      %gather3A_54 = tpu.vector_load_idx %arg5[%get3A_53] : memref<128xi32, #tpu.memory_space<vmem>>[vector<16xi32>], vector<16xi32>,
      %add3A_55 = arith.constant 16 : i32
      %add3A_56 = vector.broadcast %add3A_55 : i32 to vector<16xi32>
      %add3A_57 = arith.addi %iota3A, %add3A_56 : vector<16xi32>
      tpu.vector_store_idx %arg9[%gather3A_54, %add3A_57], %broadcast_in_dim3A_3 : memref<119x32xf32, #tpu.memory_space<vmem>>[vector<16xi32>, vector<16xi32>], vector<16xf32>,
      "tpu.region"() ({
        %run_scoped3A = tpu.sem_alloc : memref<!tpu.dma_semaphore, #tpu.memory_space<semaphore_mem>>
        %dma_start3A = arith.constant 0 : i32
        %dma_start3A_58 = arith.constant 99968 : i32
        %dma_start3A_59 = tpu.memref_slice %arg4[%dma_start3A, %dma_start3A_58] : memref<119x100000xf32, #tpu.memory_space<hbm>> -> memref<119x32xf32, #tpu.memory_space<hbm>>
        %dma_start3A_60 = arith.constant 0 : i32
        %dma_start3A_61 = arith.constant 99968 : i32
        %dma_start3A_62 = tpu.memref_slice %arg4[%dma_start3A_60, %dma_start3A_61] : memref<119x100000xf32, #tpu.memory_space<hbm>> -> memref<119x32xf32, #tpu.memory_space<hbm>>
        tpu.enqueue_dma source(%arg9 : memref<119x32xf32, #tpu.memory_space<vmem>>) target(%dma_start3A_62 : memref<119x32xf32, #tpu.memory_space<hbm>>) target_semaphore(%run_scoped3A : memref<!tpu.dma_semaphore, #tpu.memory_space<semaphore_mem>>)
        %dma_wait3A = arith.constant 0 : i32
        %dma_wait3A_63 = arith.constant 99968 : i32
        %dma_wait3A_64 = tpu.memref_slice %arg4[%dma_wait3A, %dma_wait3A_63] : memref<119x100000xf32, #tpu.memory_space<hbm>> -> memref<119x32xf32, #tpu.memory_space<hbm>>
        %dma_wait3A_65 = arith.constant 0 : i32
        %dma_wait3A_66 = arith.constant 99968 : i32
        %dma_wait3A_67 = tpu.memref_slice %arg4[%dma_wait3A_65, %dma_wait3A_66] : memref<119x100000xf32, #tpu.memory_space<hbm>> -> memref<119x32xf32, #tpu.memory_space<hbm>>
        tpu.wait_dma2 semaphore(%run_scoped3A : memref<!tpu.dma_semaphore, #tpu.memory_space<semaphore_mem>>) src(%arg9 : memref<119x32xf32, #tpu.memory_space<vmem>>) dst(%dma_wait3A_67 : memref<119x32xf32, #tpu.memory_space<hbm>>)
        tpu.yield
      }) : () -> ()
    } else {
    }
    return
  }
}

</mosaic_0001>

<sc_bundles>
// kernel: kernel.3.cloned.1.call-start
scs
__scs_entry_jumppad:
0x0: {  	(pc) =	sbr.rel $0x88, $3  }
0x1: {  	(tag) =	ssettag $0x0;
	lr =	simm.s32 $0x1  }
0x2: {  	[smem:$0x3F9F] =	sst lr;
	_ =	strace $0xD0000000  }
0x3: {  	_ = 	snop  }
0x4: {  	_ = 	snop  }
0x5: {  	_ = 	snop  }
0x6: {  	_ = 	snop  }
0x7: {  	_ = 	snop  }
__scs_overlays_trampoline_lowered:
0x8: {  	[smem:$0x3FAE] =	sst s0  }
0x9: {  	[smem:$0x3FAF] =	sst s1  }
0xa: {  	[smem:$0x3FB0] =	sst s2  }
0xb: {  	[smem:$0x3FB1] =	sst s3  }
0xc: {  	[smem:$0x3FB2] =	sst s4  }
0xd: {  	[smem:$0x3FB3] =	sst s5  }
0xe: {  	[smem:$0x3FB4] =	sst s6  }
0xf: {  	[smem:$0x3FB5] =	sst s7  }
0x10: {  	[smem:$0x3FB6] =	sst s8  }
0x11: {  	[smem:$0x3FB7] =	sst s9;
	s0 =	simm.s32 @!p0 $0x0  }
0x12: {  	s1 =	sld [smem:$0x3F9D];
	s0 =	simm.s32 @p0 $0x1  }
0x13: {  	[smem:$0x3FB8] =	sst s0;
	s0 =	simm.s32 @!p1 $0x0  }
0x14: {  	s2 =	sld [smem:$0x3F9C];
	s0 =	simm.s32 @p1 $0x1  }
0x15: {  	[smem:$0x3FB9] =	sst s0;
	s0 =	simm.s32 @!p2 $0x0  }
0x16: {  	s3 =	sld [smem:$0x3FDB];
	s0 =	simm.s32 @p2 $0x1  }
0x17: {  	s4 =	simm.s32 $0x1BF5;
	[smem:$0x3FBB] =	sst s0  }
0x18: {  	s0 =	sld [smem:$0x3F9E];
	_ =	swait.ge [sflag:s4], $0x0  }
0x19: {  	s7 =	sld [smem:$0x3F9F]  }
0x1a: {  	s8 =	sadd.s32 $0xFFFFE003, lr  }
0x1b: {  	s9 =	sadd.s32 $0xFFFFFEF7, lr;
	s5 =	simm.s32 $0xFFFFFFFF;
	p2 =	slt.u32 s8, $0xFFFFF086  }
0x1c: {  	p1 =	slt.u32 s9, $0xF7A;
	s5 =	simm.s32 @!p2 $0x0  }
0x1d: {  	s5 =	simm.s32 @p1 $0x1;
	p0 =	seq.s32 s7, s2  }
0x1e: {  	s7 =	smul.u32 @!p0 $0xF7A, s2;
	p2 =	seq.s32 @!p0 s5, $0x0  }
0x1f: {  	s9 =	smul.u32 $0xF7A, s1;
	s8 =	simm.s32 @!p0 $0x1BF5;
	p2 =	por !p2, p0  }
0x20: {  	[sflag:s8] =	ssyncset.s32 @!p0 $0xFFFFF086;
	s6 =	sadd.s32 @!p0 s3, s7;
	s7 =	simm.s32 @!p0 $0x108  }
0x21: {  	s3 =	sadd.s32 s3, s9;
	s6 =	sadd.s32 @!p0 $0x88, s6;
	s7 =	simm.s32 @p2 $0x1082  }
0x22: {  	[simem:s7], [sflag:s8] =	dma.local @!p0 [hbm:s6], $0xF7A  }
0x23: {  	s9 =	sor.u32 $0xD0000000, s2;
	s6 =	simm.s32 $0x108;
	_ =	swait.ge @!p0 [sflag:s8], $0x0  }
0x24: {  	s3 =	sadd.s32 $0x88, s3;
	s6 =	simm.s32 @!p1 $0x1082;
	[sflag:s4] =	ssyncset.s32 $0xFFFFF086  }
0x25: {  	[simem:s6], [sflag:s4] =	dma.local [hbm:s3], $0xF7A  }
0x26: {  	[smem:$0x3F9F] =	sst s1;
	(tag) =	ssettag s2;
	_ =	strace s9  }
0x27: {  	s1 =	sld [smem:$0x3FAF]  }
0x28: {  	s2 =	sld [smem:$0x3FB0]  }
0x29: {  	s4 =	sld [smem:$0x3FB2]  }
0x2a: {  	p0 =	seq.s32 s5, $0x0;
	s5 =	sld [smem:$0x3FB3]  }
0x2b: {  	s6 =	sld [smem:$0x3FB4]  }
0x2c: {  	s7 =	sld [smem:$0x3FB5]  }
0x2d: {  	s3 =	simm.s32 $0x108;
	s8 =	sld [smem:$0x3FB6]  }
0x2e: {  	s3 =	simm.s32 @!p0 $0x1082;
	s9 =	sld [smem:$0x3FB7]  }
0x2f: {  	lr =	sadd.s32 s0, s3;
	s0 =	sld [smem:$0x3FAE]  }
0x30: {  	s3 =	sld [smem:$0x3FB1]  }
0x31: {  	[smem:$0x3FBA] =	sst s10  }
0x32: {  	s10 =	sld [smem:$0x3FB8];
	_ =	sdelay $0x3  }
0x33: {  	p0 =	seq.s32 s10, $0x1;
	s10 =	sld [smem:$0x3FBA];
	_ =	sdelay $0x3  }
0x34: {  	[smem:$0x3FBA] =	sst s10  }
0x35: {  	s10 =	sld [smem:$0x3FB9];
	_ =	sdelay $0x3  }
0x36: {  	p1 =	seq.s32 s10, $0x1;
	s10 =	sld [smem:$0x3FBA];
	_ =	sdelay $0x3  }
0x37: {  	[smem:$0x3FBA] =	sst s10  }
0x38: {  	s10 =	sld [smem:$0x3FBB]  }
0x39: {  	_ = 	snop;
	(pc) =	sbr.ind lr, $3  }
0x3a: {  	_ = 	snop  }
0x3b: {  	_ = 	snop  }
0x3c: {  	p2 =	seq.s32 s10, $0x1;
	s10 =	sld [smem:$0x3FBA]  }
0x3d: {  	_ =	shalt  }
0x3e: {  	_ =	shalt  }
0x3f: {  	_ =	shalt  }
0x40: {  	_ =	shalt  }
0x41: {  	_ =	shalt  }
0x42: {  	_ =	shalt  }
0x43: {  	_ =	shalt  }
0x44: {  	_ =	shalt  }
0x45: {  	_ =	shalt  }
0x46: {  	_ =	shalt  }
0x47: {  	_ =	shalt  }
0x48: {  	_ =	shalt  }
0x49: {  	_ =	shalt  }
0x4a: {  	_ =	shalt  }
0x4b: {  	_ =	shalt  }
0x4c: {  	_ =	shalt  }
0x4d: {  	_ =	shalt  }
0x4e: {  	_ =	shalt  }
0x4f: {  	_ =	shalt  }
0x50: {  	_ =	shalt  }
0x51: {  	_ =	shalt  }
0x52: {  	_ =	shalt  }
0x53: {  	_ =	shalt  }
0x54: {  	_ =	shalt  }
0x55: {  	_ =	shalt  }
0x56: {  	_ =	shalt  }
0x57: {  	_ =	shalt  }
0x58: {  	_ =	shalt  }
0x59: {  	_ =	shalt  }
0x5a: {  	_ =	shalt  }
0x5b: {  	_ =	shalt  }
0x5c: {  	_ =	shalt  }
0x5d: {  	_ =	shalt  }
0x5e: {  	_ =	shalt  }
0x5f: {  	_ =	shalt  }
0x60: {  	_ =	shalt  }
0x61: {  	_ =	shalt  }
0x62: {  	_ =	shalt  }
0x63: {  	_ =	shalt  }
0x64: {  	_ =	shalt  }
0x65: {  	_ =	shalt  }
0x66: {  	_ =	shalt  }
0x67: {  	_ =	shalt  }
0x68: {  	_ =	shalt  }
0x69: {  	_ =	shalt  }
0x6a: {  	_ =	shalt  }
0x6b: {  	_ =	shalt  }
0x6c: {  	_ =	shalt  }
0x6d: {  	_ =	shalt  }
0x6e: {  	_ =	shalt  }
0x6f: {  	_ =	shalt  }
0x70: {  	_ =	shalt  }
0x71: {  	_ =	shalt  }
0x72: {  	_ =	shalt  }
0x73: {  	_ =	shalt  }
0x74: {  	_ =	shalt  }
0x75: {  	_ =	shalt  }
0x76: {  	_ =	shalt  }
0x77: {  	_ =	shalt  }
0x78: {  	_ =	shalt  }
0x79: {  	_ =	shalt  }
0x7a: {  	_ =	shalt  }
0x7b: {  	_ =	shalt  }
0x7c: {  	_ =	shalt  }
0x7d: {  	_ =	shalt  }
0x7e: {  	_ =	shalt  }
0x7f: {  	_ =	shalt  }
0x80: {  	_ =	shalt  }
0x81: {  	_ =	shalt  }
0x82: {  	_ =	shalt  }
0x83: {  	_ =	shalt  }
0x84: {  	_ =	shalt  }
0x85: {  	_ =	shalt  }
0x86: {  	_ =	shalt  }
0x87: {  	_ =	shalt  }
.Lfunc_end0:
.L_simem_size_0:
called_computation_lowered:
.L_overlay_start_0:
0x88: {  	s2 =	sld [smem:$0x3FD9]  }
0x89: {  	s3 =	sld [smem:$0x3FFE];
	_ =	sdelay $0x1  }
0x8a: {  	s1 =	srdreg.scid  }
0x8b: {  	s0 =	sand.u32 $0x1, s1  }
0x8c: {  	s17 =	sshll.u32 s0, $0xA;
	s2 =	sadd.s32 s3, s2  }
0x8d: {  	s2 =	sadd.s32 s2, s17  }
0x8e: {  	[smem:$0x3FC6] =	sst s2  }
0x8f: {  	_ = 	snop  }
0x90: {  	s2 =	sld [smem:$0x3FC9]  }
0x91: {  	s18 =	sld [smem:$0x3FD0];
	(tm) =	ssettm $0x1  }
0x92: {  	s4 =	sld [smem:$0x3FFB];
	_ =	sdelay $0x3  }
0x93: {  	_ =	strace s4  }
0x94: {  	s4 =	sld [smem:$0x3FFC];
	_ =	sdelay $0x3  }
0x95: {  	_ =	strace s4  }
0x96: {  	s4 =	sld [smem:$0x3FFD];
	_ =	sdelay $0x3  }
0x97: {  	_ =	strace s4  }
0x98: {  	_ =	strace $0x8FFFFFFF  }
0x99: {  	s19 =	sld [smem:$0x3FDB];
	_ =	sdelay $0x1  }
0x9a: {  	s5 =	simm.s32 $_scs_section_size  }
0x9b: {  	s6 =	simm.s32 $_size__tile_overlayer_lowered;
	s7 =	simm.s32 $_tile_overlayer_lowered  }
0x9c: {  	s22 =	simm.s32 $0x1BFF;
	s21 =	sshll.u32 s7, $0x1;
	s4 =	sadd.s32 s5, s19  }
0x9d: {  	s8 =	simm.s32 $0x0;
	s20 =	sshll.u32 s6, $0x1;
	s6 =	sadd.s32 s21, s4  }
0x9e: {  	[timem:s8], [sflag:s22] =	dma.local [hbm:s6], s20  }
0x9f: {  	_ =	swait.ge [sflag:s22], s20  }
0xa0: {  	s5 =	ssub.s32 $0x0, s20;
	[sflag:s22] =	ssyncset.done $0x0  }
0xa1: {  	[sflag:s22] =	ssyncadd.s32 s5;
	_ =	sdelay $0x1  }
0xa2: {  	s23 =	simm.s32 $0x1B8B  }
0xa3: {  	_ =	swait.ge [sflag:s23], $0x1  }
0xa4: {  	[sflag:s23] =	ssyncset.done $0x0  }
0xa5: {  	s25 =	simm.s32 $0x1B8E;
	s24 =	sld [smem:$0x3FFE];
	[sflag:s23] =	ssyncadd.s32 $0xFFFFFFFF  }
0xa6: {  	s26 =	simm.s32 $execute0_lowered;
	[smem:$0x3FD2] =	sst s25  }
0xa7: {  	s6 =	sshll.u32 s26, $0x1;
	_ =	strace $0x80000046;
	[dreg:$0x1] =	wrdreg $0xFFFFFFFF  }
0xa8: {  	s28 =	simm.s32 $_size_execute0_lowered;
	s4 =	sadd.s32 s4, s6;
	[dreg:$0x0] =	wrdreg $0x0  }
0xa9: {  	s6 =	sshll.u32 s28, $0x1;
	[dreg:$0x2] =	wrdreg s4  }
0xaa: {  	[dreg:$0x3] =	wrdreg s6  }
0xab: {  	[dreg:$0x4] =	wrdreg $0xC0  }
0xac: {  	_ =	task [dreg:s8], $0x5FFFF  }
0xad: {  	[dreg:$0x1] =	wrdreg $0xFFFFFFFF  }
0xae: {  	[dreg:$0x0] =	wrdreg $0x60  }
0xaf: {  	[dreg:$0x2] =	wrdreg s2  }
0xb0: {  	[dreg:$0x3] =	wrdreg s24  }
0xb1: {  	[dreg:$0x4] =	wrdreg s18  }
0xb2: {  	[dreg:$0x5] =	wrdreg $0x9  }
0xb3: {  	_ =	task.clear_ibuf [dreg:s8], $0x6FFFF;
	_ =	strace $0x90000046  }
0xb4: {  	s29 =	simm.s32 $0x9;
	_ =	strace $0x80000048  }
0xb5: {  	_ =	swait.ge [sflag:s29], $0x1  }
0xb6: {  	[sflag:s29] =	ssyncadd.s32 $0xFFFFFFFF  }
0xb7: {  	_ =	strace $0x90000048  }
0xb8: {  	_ =	sfence  }
0xb9: {  	s30 =	sld [smem:$0x0];
	_ =	sdelay $0x2  }
0xba: {  	s31 =	sshll.u32 s1, $0xD;
	s1 =	sshrl.u32 s1, $0x2  }
0xbb: {  	s3 =	sand.u32 $0x4000, s31;
	s1 =	sadd.s32 s1, s30  }
0xbc: {  	s0 =	sor.u32 s3, s0;
	s1 =	sshll.u32 s1, $0x11  }
0xbd: {  	s0 =	sor.u32 s1, s0  }
0xbe: {  	s0 =	sadd.s32 $0x8F2B, s0  }
0xbf: {  	[sflag:s0] =	ssyncadd.remote.s32 $0x1  }
0xc0: {  	_ =	sfence.sel $0xFFFF  }
0xc1: {  	[dreg:$0x0] =	wrdreg $0xFFFFFFFF;
	(pc) =	sbr.abs _section_cstart, $3  }
0xc2: {  	[dreg:$0x1] =	wrdreg $0xFFFFFFFF  }
0xc3: {  	_ =	task.clear_ibuf [dreg:s8], $0x2FFFF;
	_ =	strace $0x9FFFFFFF  }
0xc4: {  	(tm) =	ssettm $0x7FFFFFFF  }
0xc5: {  	_ =	shalt  }
tec
execute0_lowered:
.L_overlay_start_1:
0x0: {  	(tag) =	ssettag $0x1  }
0x1: {  	s1 =	rddreg [dreg:$0x0]  }
0x2: {  	s5 =	rddreg [dreg:$0x1]  }
0x3: {  	s2 =	rddreg [dreg:$0x2]  }
0x4: {  	s3 =	srdreg.scid;
	s0 =	rddreg [dreg:$0x3]  }
0x5: {  	s4 =	simm.s32 $0x0;
	s15 =	simm.s32 $0x400;
	s16 =	simm.s32 $0xC3800  }
0x6: {  	s17 =	simm.s32 $0x3980;
	s19 =	simm.s32 $0x7580;
	s20 =	simm.s32 $0x0  }
0x7: {  	s10 =	sand.u32 $0x1, s3;
	[smem:$0x7FF] =	sst s4;
	s3 =	stileid.u32  }
0x8: {  	s5 =	sadd.s32 $0x400, s5;
	s6 =	ssub.s32 $0x2, s10;
	_ =	strace $0x80000047  }
0x9: {  	s8 =	sshll.u32 s3, $0x1;
	s31 =	sshll.u32 s3, $0x8;
	s12 =	sshll.u32 s10, $0x7  }
0xa: {  	s13 =	sshll.u32 s3, $0x5;
	s14 =	sshll.u32 s10, $0x4;
	s7 =	sshrl.u32 s6, $0x1  }
.Ltmp0:
0xb: {  	s18 =	sor.u32 s10, s8;
	s10 =	sor.u32 s12, s31;
	(pc) =	sbr.rel .LBB2_1-.Ltmp0, $4  }
0xc: {  	v0 =	vlaneseq.u32;
	s12 =	simm.s32 $0x1;
	s9 =	ssub.s32 s6, s7;
	s6 =	sadd.s32 $0x30D0, s1  }
0xd: {  	v1 =	vimm.f32 $0.0e+00;
	v2 =	vimm.f32 $1.000000000e+00;
	v3 =	vor.u32 $0x10, v0;
	s7 =	sadd.s32 $0x18680, s2;
	s11 =	ssub.s32 $0x32C, s18;
	p0 =	sne.s32 s18, $0xD  }
0xe: {  	v4 =	vor.u32 $0x20, v0;
	v5 =	vor.u32 $0x30, v0;
	v6 =	vor.u32 $0x40, v0;
	s18 =	simm.s32 $0x3D80;
	s8 =	smax.u32 s9, $0x1;
	s9 =	sshrl.u32 s11, $0x5  }
0xf: {  	v7 =	vor.u32 $0x50, v0;
	v8 =	vor.u32 $0x60, v0;
	v9 =	vor.u32 $0x70, v0;
	s11 =	sor.u32 s14, s13;
	s13 =	simm.s32 $0x80;
	s14 =	simm.s32 $0x180  }
.LBB2_8:
0x10: {  	[tilespmem:s22+$0x3D80] =	vst v1  }
0x11: {  	[tilespmem:s22+$0x3D90] =	vst v1  }
0x12: {  	[tilespmem:s13], [sflag:$0x1] =	stream.linear.gather [hbm4b:s6+s4], $0x20, $0x38;
	[tilespmem:$0x7980] =	vst v63  }
0x13: {  	_ =	swait.ge [sflag:s12], $0x20  }
0x14: {  	[sflag:s12] =	ssyncset.done $0x0  }
0x15: {  	[sflag:s12] =	ssyncadd.s32 $0xFFFFFFE0  }
0x16: {  	v10 =	vld [tilespmem:$0x80];
	_ =	sdelay $0x7  }
0x17: {  	v10 =	vld.idx.msk [tilespmem:v10+s4+$0x0], $0xffff;
	_ =	sdelay $0x4  }
0x18: {  	v10 =	vshll.u32 v10, $0x7  }
0x19: {  	v10 =	vor.u32 v0, v10;
	_ =	sdelay $0x4  }
0x1a: {  	[tilespmem:v10+s18+$0x0] =	vst.idx.msk $0xffff, v2  }
0x1b: {  	v10 =	vld [tilespmem:$0x90];
	_ =	sdelay $0x7  }
0x1c: {  	v10 =	vld.idx.msk [tilespmem:v10+s4+$0x0], $0xffff;
	_ =	sdelay $0x4  }
0x1d: {  	v10 =	vshll.u32 v10, $0x7  }
0x1e: {  	v10 =	vor.u32 v3, v10;
	_ =	sdelay $0x4  }
0x1f: {  	[tilespmem:v10+s18+$0x0] =	vst.idx.msk $0xffff, v2  }
0x20: {  	[hbm4b:s7+s15] =	stream.strided.scatter [tilespmem:s18], [sflag:$0x1], $0x3800, s16, s15, $0x38;
	[tilespmem:$0x7980] =	vst v63  }
0x21: {  	s21 =	sadd.s32 $0x156200, s7  }
0x22: {  	[hbm4b:s21+s4] =	stream.linear.scatter [tilespmem:s19], [sflag:$0x1], $0x380, $0x38;
	[tilespmem:$0x7980] =	vst v63  }
0x23: {  	_ =	swait.ge [sflag:s12], $0x3B80  }
0x24: {  	[sflag:s12] =	ssyncset.done $0x0  }
0x25: {  	[sflag:s12] =	ssyncadd.s32 $0xFFFFC480  }
.LBB2_9:
0x26: {  	s20 =	sadd.s32 $0x1, s20  }
0x27: {  	p1 =	sne.s32 s20, s8  }
.Ltmp1:
0x28: {  	_ = 	snop;
	(pc) =	sbr.rel @!p1 .LBB2_10-.Ltmp1, $1  }
0x29: {  	_ =	sdelay $0x3  }
.LBB2_1:
0x2a: {  	[tilespmem:s4], [sflag:$0x1] =	stream.linear.gather [hbm4b:s5+s4], $0x80, $0x38;
	[tilespmem:$0x7980] =	vst v63  }
0x2b: {  	_ =	swait.ge [sflag:s12], $0x80  }
0x2c: {  	[sflag:s12] =	ssyncset.done $0x0  }
0x2d: {  	s21 =	simm.s32 $0x0;
	s22 =	simm.s32 $0x200;
	[sflag:s12] =	ssyncadd.s32 $0xFFFFFF80  }
.LBB2_2:
0x2e: {  	p1 =	sne.s32 s22, $0xEC00;
	[tilespmem:s21+$0x1F0] =	vst v1  }
0x2f: {  	[tilespmem:s21+$0x180] =	vst v1  }
0x30: {  	[tilespmem:s21+$0x190] =	vst v1  }
.Ltmp2:
0x31: {  	[tilespmem:s21+$0x1A0] =	vst v1;
	(pc) =	sbr.rel @p1 .LBB2_2-.Ltmp2, $4  }
0x32: {  	[tilespmem:s21+$0x1B0] =	vst v1  }
0x33: {  	[tilespmem:s21+$0x1C0] =	vst v1  }
0x34: {  	[tilespmem:s21+$0x1D0] =	vst v1  }
0x35: {  	[tilespmem:s21+$0x1E0] =	vst v1;
	s21 =	sshra.s32 s22, $0x2;
	s22 =	sadd.s32 $0x200, s22  }
0x36: {  	[tilespmem:s21+$0x1F0] =	vst v1  }
0x37: {  	[tilespmem:s21+$0x180] =	vst v1  }
0x38: {  	[tilespmem:s21+$0x190] =	vst v1  }
0x39: {  	[tilespmem:s21+$0x1A0] =	vst v1  }
0x3a: {  	[tilespmem:s21+$0x1B0] =	vst v1  }
0x3b: {  	[tilespmem:s21+$0x1C0] =	vst v1  }
0x3c: {  	[tilespmem:s21+$0x1D0] =	vst v1  }
0x3d: {  	[tilespmem:s21+$0x1E0] =	vst v1;
	s21 =	smov.u32 s11;
	s22 =	smov.u32 s10;
	s23 =	smov.u32 s9  }
.LBB2_4:
0x3e: {  	s24 =	sand.u32 $0x1FFFFFF0, s21  }
0x3f: {  	s24 =	sadd.s32 s1, s24  }
0x40: {  	[tilespmem:s13], [sflag:$0x1] =	stream.linear.gather [hbm4b:s24+s4], $0x80, $0x38;
	[tilespmem:$0x7980] =	vst v63  }
0x41: {  	_ =	swait.ge [sflag:s12], $0x80  }
0x42: {  	[sflag:s12] =	ssyncset.done $0x0  }
0x43: {  	[sflag:s12] =	ssyncadd.s32 $0xFFFFFF80  }
0x44: {  	v10 =	vld [tilespmem:$0x80];
	_ =	sdelay $0x7  }
0x45: {  	v10 =	vld.idx.msk [tilespmem:v10+s4+$0x0], $0xffff;
	_ =	sdelay $0x4  }
0x46: {  	v11 =	vshll.u32 v10, $0x7  }
0x47: {  	v11 =	vor.u32 v0, v11;
	_ =	sdelay $0x4  }
0x48: {  	[tilespmem:v11+s14+$0x0] =	vst.idx.msk $0xffff, v2  }
0x49: {  	v11 =	vld [tilespmem:$0x90];
	_ =	sdelay $0x6  }
0x4a: {  	[tilespmem:$0x100] =	vst v10  }
0x4b: {  	v10 =	vld.idx.msk [tilespmem:v11+s4+$0x0], $0xffff;
	_ =	sdelay $0x4  }
0x4c: {  	v11 =	vshll.u32 v10, $0x7  }
0x4d: {  	v11 =	vor.u32 v3, v11;
	_ =	sdelay $0x4  }
0x4e: {  	[tilespmem:v11+s14+$0x0] =	vst.idx.msk $0xffff, v2  }
0x4f: {  	v11 =	vld [tilespmem:$0xA0];
	_ =	sdelay $0x6  }
0x50: {  	[tilespmem:$0x110] =	vst v10  }
0x51: {  	v10 =	vld.idx.msk [tilespmem:v11+s4+$0x0], $0xffff;
	_ =	sdelay $0x4  }
0x52: {  	v11 =	vshll.u32 v10, $0x7  }
0x53: {  	v11 =	vor.u32 v4, v11;
	_ =	sdelay $0x4  }
0x54: {  	[tilespmem:v11+s14+$0x0] =	vst.idx.msk $0xffff, v2  }
0x55: {  	v11 =	vld [tilespmem:$0xB0];
	_ =	sdelay $0x6  }
0x56: {  	[tilespmem:$0x120] =	vst v10  }
0x57: {  	v10 =	vld.idx.msk [tilespmem:v11+s4+$0x0], $0xffff;
	_ =	sdelay $0x4  }
0x58: {  	v11 =	vshll.u32 v10, $0x7  }
0x59: {  	v11 =	vor.u32 v5, v11;
	_ =	sdelay $0x4  }
0x5a: {  	[tilespmem:v11+s14+$0x0] =	vst.idx.msk $0xffff, v2  }
0x5b: {  	v11 =	vld [tilespmem:$0xC0];
	_ =	sdelay $0x6  }
0x5c: {  	[tilespmem:$0x130] =	vst v10  }
0x5d: {  	v10 =	vld.idx.msk [tilespmem:v11+s4+$0x0], $0xffff;
	_ =	sdelay $0x4  }
0x5e: {  	v11 =	vshll.u32 v10, $0x7  }
0x5f: {  	v11 =	vor.u32 v6, v11;
	_ =	sdelay $0x4  }
0x60: {  	[tilespmem:v11+s14+$0x0] =	vst.idx.msk $0xffff, v2  }
0x61: {  	v11 =	vld [tilespmem:$0xD0];
	_ =	sdelay $0x6  }
0x62: {  	[tilespmem:$0x140] =	vst v10  }
0x63: {  	v10 =	vld.idx.msk [tilespmem:v11+s4+$0x0], $0xffff;
	_ =	sdelay $0x4  }
0x64: {  	v11 =	vshll.u32 v10, $0x7  }
0x65: {  	v11 =	vor.u32 v7, v11;
	_ =	sdelay $0x4  }
0x66: {  	[tilespmem:v11+s14+$0x0] =	vst.idx.msk $0xffff, v2  }
0x67: {  	v11 =	vld [tilespmem:$0xE0];
	_ =	sdelay $0x6  }
0x68: {  	[tilespmem:$0x150] =	vst v10  }
0x69: {  	v10 =	vld.idx.msk [tilespmem:v11+s4+$0x0], $0xffff;
	_ =	sdelay $0x4  }
0x6a: {  	v11 =	vshll.u32 v10, $0x7  }
0x6b: {  	v11 =	vor.u32 v8, v11;
	_ =	sdelay $0x4  }
0x6c: {  	[tilespmem:v11+s14+$0x0] =	vst.idx.msk $0xffff, v2  }
0x6d: {  	v11 =	vld [tilespmem:$0xF0];
	_ =	sdelay $0x6  }
0x6e: {  	[tilespmem:$0x160] =	vst v10  }
0x6f: {  	v10 =	vld.idx.msk [tilespmem:v11+s4+$0x0], $0xffff;
	_ =	sdelay $0x4  }
0x70: {  	v11 =	vshll.u32 v10, $0x7  }
0x71: {  	v11 =	vor.u32 v9, v11;
	_ =	sdelay $0x4  }
0x72: {  	s31 =	sand.u32 $0x1FFFFF80, s22;
	[tilespmem:v11+s14+$0x0] =	vst.idx.msk $0xffff, v2  }
0x73: {  	s24 =	sadd.s32 s2, s31;
	[tilespmem:$0x170] =	vst v10  }
0x74: {  	[hbm4b:s24+s15] =	stream.strided.scatter [tilespmem:s14], [sflag:$0x1], $0x3800, s16, s15, $0x38;
	[tilespmem:$0x7980] =	vst v63  }
0x75: {  	s24 =	sadd.s32 $0x156200, s24  }
0x76: {  	[hbm4b:s24+s4] =	stream.linear.scatter [tilespmem:s17], [sflag:$0x1], $0x380, $0x38;
	[tilespmem:$0x7980] =	vst v63  }
0x77: {  	_ =	swait.ge [sflag:s12], $0x3B80  }
0x78: {  	[sflag:s12] =	ssyncset.done $0x0  }
0x79: {  	[sflag:s12] =	ssyncadd.s32 $0xFFFFC480  }
0x7a: {  	v10 =	vld [tilespmem:$0x100];
	_ =	sdelay $0x4  }
0x7b: {  	v10 =	vshll.u32 v10, $0x7  }
0x7c: {  	v10 =	vor.u32 v0, v10;
	_ =	sdelay $0x4  }
0x7d: {  	[tilespmem:v10+s14+$0x0] =	vst.idx.msk $0xffff, v1  }
0x7e: {  	v10 =	vld [tilespmem:$0x110];
	_ =	sdelay $0x4  }
0x7f: {  	v10 =	vshll.u32 v10, $0x7  }
0x80: {  	v10 =	vor.u32 v3, v10;
	_ =	sdelay $0x4  }
0x81: {  	[tilespmem:v10+s14+$0x0] =	vst.idx.msk $0xffff, v1  }
0x82: {  	v10 =	vld [tilespmem:$0x120];
	_ =	sdelay $0x4  }
0x83: {  	v10 =	vshll.u32 v10, $0x7  }
0x84: {  	v10 =	vor.u32 v4, v10;
	_ =	sdelay $0x4  }
0x85: {  	[tilespmem:v10+s14+$0x0] =	vst.idx.msk $0xffff, v1  }
0x86: {  	v10 =	vld [tilespmem:$0x130];
	_ =	sdelay $0x4  }
0x87: {  	v10 =	vshll.u32 v10, $0x7  }
0x88: {  	v10 =	vor.u32 v5, v10;
	_ =	sdelay $0x4  }
0x89: {  	[tilespmem:v10+s14+$0x0] =	vst.idx.msk $0xffff, v1  }
0x8a: {  	v10 =	vld [tilespmem:$0x140];
	_ =	sdelay $0x4  }
0x8b: {  	v10 =	vshll.u32 v10, $0x7  }
0x8c: {  	v10 =	vor.u32 v6, v10;
	_ =	sdelay $0x4  }
0x8d: {  	[tilespmem:v10+s14+$0x0] =	vst.idx.msk $0xffff, v1  }
0x8e: {  	v10 =	vld [tilespmem:$0x150];
	_ =	sdelay $0x4  }
0x8f: {  	v10 =	vshll.u32 v10, $0x7  }
0x90: {  	v10 =	vor.u32 v7, v10;
	_ =	sdelay $0x4  }
0x91: {  	[tilespmem:v10+s14+$0x0] =	vst.idx.msk $0xffff, v1  }
0x92: {  	v10 =	vld [tilespmem:$0x160];
	_ =	sdelay $0x4  }
0x93: {  	v10 =	vshll.u32 v10, $0x7  }
0x94: {  	v10 =	vor.u32 v8, v10;
	_ =	sdelay $0x4  }
0x95: {  	[tilespmem:v10+s14+$0x0] =	vst.idx.msk $0xffff, v1  }
0x96: {  	v10 =	vld [tilespmem:$0x170];
	_ =	sdelay $0x4  }
0x97: {  	v10 =	vshll.u32 v10, $0x7  }
0x98: {  	p1 =	sne.s32 s23, $0x1;
	v10 =	vor.u32 v9, v10  }
.Ltmp3:
0x99: {  	_ = 	snop;
	(pc) =	sbr.rel @p1 .LBB2_4-.Ltmp3, $2  }
0x9a: {  	_ =	sdelay $0x2  }
0x9b: {  	s22 =	sadd.s32 $0x1000, s22;
	s21 =	sadd.s32 $0x200, s21;
	s23 =	sadd.s32 $0xFFFFFFFF, s23;
	[tilespmem:v10+s14+$0x0] =	vst.idx.msk $0xffff, v1  }
.Ltmp4:
0x9c: {  	(pc) =	sbr.rel @p0 .LBB2_9-.Ltmp4, $1  }
0x9d: {  	_ =	sdelay $0x3  }
0x9e: {  	s21 =	simm.s32 $0x200;
	s22 =	simm.s32 $0x0  }
.LBB2_7:
0x9f: {  	p1 =	sne.s32 s21, $0xEC00;
	[tilespmem:s22+$0x3D80] =	vst v1;
	s23 =	smov.u32 s21;
	s21 =	sadd.s32 $0x200, s21  }
.Ltmp5:
0xa0: {  	[tilespmem:s22+$0x3D90] =	vst v1;
	(pc) =	sbr.rel @p1 .LBB2_7-.Ltmp5, $2  }
0xa1: {  	_ =	sdelay $0x2  }
0xa2: {  	s22 =	sshra.s32 s23, $0x2  }
.Ltmp6:
0xa3: {  	_ = 	snop;
	(pc) =	sbr.rel .LBB2_8-.Ltmp6, $1  }
0xa4: {  	_ =	sdelay $0x3  }
.LBB2_10:
0xa5: {  	_ =	sfence.sel $0x180000  }
0xa6: {  	[bflag:$0x0] =	sbarrier.arrive $0xFFFF  }
0xa7: {  	p0 =	sne.s32 s3, $0x0;
	_ =	strace $0x90000047  }
0xa8: {  	s0 =	sadd.s32 @!p0 $0x100000, s0;
	[bflag:$0x2] =	sbarrier.arrive $0xFFFF  }
0xa9: {  	[sflag:s0] =	ssyncadd.tile.s32 @!p0 $0x1;
	_ =	shalt  }
.Lfunc_end2:
_tile_overlayer_lowered:
.L_overlay_start_2:
0xaa: {  	(tag) =	ssettag $0x2  }
0xab: {  	s0 =	rddreg [dreg:$0x0];
	s2 =	stileid.u32  }
0xac: {  	s1 =	rddreg [dreg:$0x1];
	p0 =	sne.s32 s2, $0x0  }
0xad: {  	s3 =	rddreg [dreg:$0x2];
	[bflag:$0x3] =	sbarrier.arrive $0xFFFF;
	s2 =	simm.s32 @!p0 $0x1C01  }
0xae: {  	[timem:s3], [sflag:s2] =	dma.local @!p0 [hbm:s0], s1  }
0xaf: {  	s0 =	simm.s32 @!p0 $0x1  }
0xb0: {  	_ =	swait.ge @!p0 [sflag:s0], s1  }
0xb1: {  	s1 =	ssub.s32 @!p0 $0x0, s1;
	[sflag:s0] =	ssyncset.done @!p0 $0x0  }
0xb2: {  	[sflag:s0] =	ssyncadd.s32 @!p0 s1  }
0xb3: {  	[bflag:$0x3] =	sbarrier.arrive $0xFFFF  }
0xb4: {  	_ =	shalt  }

</sc_bundles>
